<compile_context>
chip_gen: v7x
topology: tpu7x:2x2x1
jax: 0.10.2.dev20260603
libtpu: 0.0.44.dev20260713+nightly
codegen_flags: <defaults>
</compile_context>

<pallas_src>
import functools

import jax
import jax.numpy as jnp
from jax import lax
from jax.experimental import pallas as pl
from jax.experimental.pallas import tpu as pltpu
from jax.experimental.pallas import tpu_sc as plsc

E = 64
K = 8
ALPHA = 0.01
ROWS = 1024
NW = 32
L = 16


def _score_kernel(x_ref, w_ref, sc_ref, acc_ref):
    x = x_ref[...]
    w = w_ref[...]
    logits = jax.lax.dot_general(
        x, w, (((1,), (1,)), ((), ())), preferred_element_type=jnp.float32
    )
    m = jnp.max(logits, axis=-1, keepdims=True)
    e = jnp.exp(logits - m)
    denom = jnp.sum(e, axis=-1, keepdims=True)
    scores = e / denom
    sc_ref[...] = scores

    @pl.when(pl.program_id(0) == 0)
    def _init():
        acc_ref[0, 0] = 0.0

    acc_ref[0, 0] += jnp.sum(scores)


def _merge_top16(ak, av, bk, bv):
    br = lax.rev(bk, (0,))
    bir = lax.rev(bv, (0,))
    take = (ak > br) | ((ak == br) & (av < bir))
    mk = jnp.where(take, ak, br)
    mv = jnp.where(take, av, bir)
    return plsc.sort_key_val(mk, mv, descending=True)


def _topk_sc_kernel(n, scores_hbm, idx_hbm, val_hbm, sc_v, outi_v, outv_v):
    tok = n // NW
    wid = lax.axis_index("s") * 2 + lax.axis_index("c")
    base = wid * tok
    pltpu.sync_copy(scores_hbm.at[pl.ds(base, tok)], sc_v)

    def body(t, carry):
        sk = []
        sv = []
        for j in range(E // L):
            keys = sc_v[t, pl.ds(j * L, L)]
            vals = lax.iota(jnp.int32, L) + (j * L)
            k_s, v_s = plsc.sort_key_val(keys, vals, descending=True)
            sk.append(k_s)
            sv.append(v_s)
        t01k, t01v = _merge_top16(sk[0], sv[0], sk[1], sv[1])
        t23k, t23v = _merge_top16(sk[2], sv[2], sk[3], sv[3])
        tk, tv = _merge_top16(t01k, t01v, t23k, t23v)
        outi_v[t, :] = tv
        outv_v[t, :] = tk
        return carry

    lax.fori_loop(0, tok, body, 0)
    pltpu.sync_copy(outi_v, idx_hbm.at[pl.ds(base, tok)])
    pltpu.sync_copy(outv_v, val_hbm.at[pl.ds(base, tok)])


def kernel(hidden_states, weight):
    b, s, h = hidden_states.shape
    n = b * s
    hs = hidden_states.reshape(n, h)
    scores, acc = pl.pallas_call(
        _score_kernel,
        grid=(n // ROWS,),
        in_specs=[
            pl.BlockSpec((ROWS, h), lambda i: (i, 0)),
            pl.BlockSpec((E, h), lambda i: (0, 0)),
        ],
        out_specs=[
            pl.BlockSpec((ROWS, E), lambda i: (i, 0)),
            pl.BlockSpec(memory_space=pltpu.SMEM),
        ],
        out_shape=[
            jax.ShapeDtypeStruct((n, E), jnp.float32),
            jax.ShapeDtypeStruct((1, 1), jnp.float32),
        ],
    )(hs, weight)

    tok = n // NW
    topk = pl.kernel(
        functools.partial(_topk_sc_kernel, n),
        out_type=[
            jax.ShapeDtypeStruct((n, L), jnp.int32),
            jax.ShapeDtypeStruct((n, L), jnp.float32),
        ],
        mesh=plsc.VectorSubcoreMesh(core_axis_name="c", subcore_axis_name="s"),
        compiler_params=pltpu.CompilerParams(needs_layout_passes=False),
        scratch_types=[
            pltpu.VMEM((tok, E), jnp.float32),
            pltpu.VMEM((tok, L), jnp.int32),
            pltpu.VMEM((tok, L), jnp.float32),
        ],
    )
    idxp, valp = topk(scores)
    aux_loss = acc[0, 0] * (ALPHA / n)
    return idxp[:, :K], valp[:, :K], aux_loss

# --- scband reference (transcript-rebuilt; emitter-appended) ---
"""Pipeline reference for scband-mo-egate-24799141167301 (READ-ONLY COPY).

The authoritative reference and input builder live on the scoring server;
editing this copy changes nothing except your own understanding.
"""

import jax, jax.numpy as jnp
import numpy as np

B, S, H = 2, 4096, 2048
E, K = 64, 8
ALPHA = 0.01


def setup_inputs(seed: int = 0) -> dict:
    key = jax.random.key(seed)
    k1, k2 = jax.random.split(key)
    hidden_states = jax.random.normal(k1, (B, S, H), dtype=jnp.float32)
    # he_uniform init for gate weight [E, H]
    limit = (6.0 / H) ** 0.5
    weight = jax.random.uniform(k2, (E, H), dtype=jnp.float32, minval=-limit, maxval=limit)
    return {"hidden_states": hidden_states, "weight": weight}


def reference(hidden_states, weight):
    bsize, seq_len, h = hidden_states.shape
    hs = jnp.reshape(hidden_states, (-1, h))
    # gating projection: [N, H] @ [H, E] -> [N, E]
    logits = jnp.dot(hs, weight.T)
    scores = jax.nn.softmax(logits, axis=-1)
    # top-k expert selection (values=weights, indices=expert ids)
    topk_weight, topk_idx = jax.lax.top_k(scores, K)
    # norm_topk_prob is False in this config -> no renormalization
    # aux (load-balancing) loss, seq_aux=False branch
    topk_idx_for_auxloss = jnp.reshape(topk_idx, (bsize, -1))
    mask_ce = jax.nn.one_hot(jnp.reshape(topk_idx_for_auxloss, (-1,)), num_classes=E)
    ce = mask_ce.astype(jnp.float32).mean(0)
    pi = scores.mean()
    fi = ce * E
    aux_loss = (pi * fi).sum() * ALPHA
    return topk_idx, topk_weight, aux_loss

if __name__ == "__main__":
    import jax
    _d = setup_inputs()
    print(jax.jit(kernel)(*tuple(_d.values())))

</pallas_src>

<mosaic_0001>
#map = affine_map<(d0, d1) -> (0, 0)>
module attributes {stable_mosaic.version = 14 : i64} {
  func.func @_topk_sc_kernel(%arg0: i32, %arg1: i32, %arg2: memref<8192x64xf32, #tpu.memory_space<hbm>>, %arg3: memref<8192x16xi32, #tpu.memory_space<hbm>>, %arg4: memref<8192x16xf32, #tpu.memory_space<hbm>>, %arg5: memref<256x64xf32, #tpu.memory_space<vmem>>, %arg6: memref<256x16xi32, #tpu.memory_space<vmem>>, %arg7: memref<256x16xf32, #tpu.memory_space<vmem>>) attributes {dimension_semantics = [#tpu.dimension_semantics<core_parallel>, #tpu.dimension_semantics<subcore_parallel>], iteration_bounds = array<i64: 2, 16>, scalar_prefetch = 0 : i64, scratch_operands = 3 : i64, tpu.core_type = #tpu.core_type<sc_vector_subcore>, window_params = [{transform_indices = #map}, {transform_indices = #map}, {transform_indices = #map}]} {
    %mul3A = arith.constant 2 : i32
    %mul3A_0 = arith.muli %arg1, %mul3A : i32
    %add3A = arith.addi %mul3A_0, %arg0 : i32
    %mul3A_1 = arith.constant 256 : i32
    %mul3A_2 = arith.muli %add3A, %mul3A_1 : i32
    "tpu.region"() ({
      %run_scoped3A = tpu.sem_alloc : memref<!tpu.dma_semaphore, #tpu.memory_space<semaphore_mem>>
      %dma_start3A = arith.constant 0 : i32
      %dma_start3A_8 = tpu.memref_slice %arg2[%mul3A_2, %dma_start3A] : memref<8192x64xf32, #tpu.memory_space<hbm>> -> memref<256x64xf32, #tpu.memory_space<hbm>>
      %dma_start3A_9 = arith.constant 0 : i32
      %dma_start3A_10 = tpu.memref_slice %arg2[%mul3A_2, %dma_start3A_9] : memref<8192x64xf32, #tpu.memory_space<hbm>> -> memref<256x64xf32, #tpu.memory_space<hbm>>
      tpu.enqueue_dma source(%dma_start3A_10 : memref<256x64xf32, #tpu.memory_space<hbm>>) target(%arg5 : memref<256x64xf32, #tpu.memory_space<vmem>>) target_semaphore(%run_scoped3A : memref<!tpu.dma_semaphore, #tpu.memory_space<semaphore_mem>>)
      %dma_wait3A = arith.constant 0 : i32
      %dma_wait3A_11 = tpu.memref_slice %arg2[%mul3A_2, %dma_wait3A] : memref<8192x64xf32, #tpu.memory_space<hbm>> -> memref<256x64xf32, #tpu.memory_space<hbm>>
      %dma_wait3A_12 = arith.constant 0 : i32
      %dma_wait3A_13 = tpu.memref_slice %arg2[%mul3A_2, %dma_wait3A_12] : memref<8192x64xf32, #tpu.memory_space<hbm>> -> memref<256x64xf32, #tpu.memory_space<hbm>>
      tpu.wait_dma2 semaphore(%run_scoped3A : memref<!tpu.dma_semaphore, #tpu.memory_space<semaphore_mem>>) src(%dma_wait3A_13 : memref<256x64xf32, #tpu.memory_space<hbm>>) dst(%arg5 : memref<256x64xf32, #tpu.memory_space<vmem>>)
      tpu.yield
    }) : () -> ()
    %scan3A = arith.constant 0 : i32
    %scan3A_3 = arith.constant 0 : i32
    %scan3A_4 = arith.constant 256 : i32
    %scan3A_5 = arith.addi %scan3A_3, %scan3A_4 : i32
    %scan3A_6 = arith.constant 1 : i32
    scf.for %scan3A_8 = %scan3A_3 to %scan3A_5 step %scan3A_6  : i32 {
      %get3A = arith.index_cast %scan3A_8 : i32 to index
      %get3A_9 = arith.constant 0 : index
      %get3A_10 = tpu.vector_load %arg5[%get3A, %get3A_9] {strides = array<i32>} : memref<256x64xf32, #tpu.memory_space<vmem>>, vector<16xf32>,
      %iota3A = tpu.iota {dimensions = array<i32: 0>} : vector<16xi32>
      %add3A_11 = arith.constant 0 : i32
      %add3A_12 = vector.broadcast %add3A_11 : i32 to vector<16xi32>
      %add3A_13 = arith.addi %iota3A, %add3A_12 : vector<16xi32>
      %masked_sort3A = arith.constant dense<true> : vector<16xi1>
      %masked_sort3A_14, %masked_sort3A_15, %masked_sort3A_16 = tpu.sort %get3A_10, %add3A_13 masked %masked_sort3A {descending = true} : (vector<16xf32>, vector<16xi32>, vector<16xi1>) -> (vector<16xi1>, vector<16xf32>, vector<16xi32>)
      %get3A_17 = arith.index_cast %scan3A_8 : i32 to index
      %get3A_18 = arith.constant 16 : index
      %get3A_19 = tpu.vector_load %arg5[%get3A_17, %get3A_18] {strides = array<i32>} : memref<256x64xf32, #tpu.memory_space<vmem>>, vector<16xf32>,
      %iota3A_20 = tpu.iota {dimensions = array<i32: 0>} : vector<16xi32>
      %add3A_21 = arith.constant 16 : i32
      %add3A_22 = vector.broadcast %add3A_21 : i32 to vector<16xi32>
      %add3A_23 = arith.addi %iota3A_20, %add3A_22 : vector<16xi32>
      %masked_sort3A_24 = arith.constant dense<true> : vector<16xi1>
      %masked_sort3A_25, %masked_sort3A_26, %masked_sort3A_27 = tpu.sort %get3A_19, %add3A_23 masked %masked_sort3A_24 {descending = true} : (vector<16xf32>, vector<16xi32>, vector<16xi1>) -> (vector<16xi1>, vector<16xf32>, vector<16xi32>)
      %get3A_28 = arith.index_cast %scan3A_8 : i32 to index
      %get3A_29 = arith.constant 32 : index
      %get3A_30 = tpu.vector_load %arg5[%get3A_28, %get3A_29] {strides = array<i32>} : memref<256x64xf32, #tpu.memory_space<vmem>>, vector<16xf32>,
      %iota3A_31 = tpu.iota {dimensions = array<i32: 0>} : vector<16xi32>
      %add3A_32 = arith.constant 32 : i32
      %add3A_33 = vector.broadcast %add3A_32 : i32 to vector<16xi32>
      %add3A_34 = arith.addi %iota3A_31, %add3A_33 : vector<16xi32>
      %masked_sort3A_35 = arith.constant dense<true> : vector<16xi1>
      %masked_sort3A_36, %masked_sort3A_37, %masked_sort3A_38 = tpu.sort %get3A_30, %add3A_34 masked %masked_sort3A_35 {descending = true} : (vector<16xf32>, vector<16xi32>, vector<16xi1>) -> (vector<16xi1>, vector<16xf32>, vector<16xi32>)
      %get3A_39 = arith.index_cast %scan3A_8 : i32 to index
      %get3A_40 = arith.constant 48 : index
      %get3A_41 = tpu.vector_load %arg5[%get3A_39, %get3A_40] {strides = array<i32>} : memref<256x64xf32, #tpu.memory_space<vmem>>, vector<16xf32>,
      %iota3A_42 = tpu.iota {dimensions = array<i32: 0>} : vector<16xi32>
      %add3A_43 = arith.constant 48 : i32
      %add3A_44 = vector.broadcast %add3A_43 : i32 to vector<16xi32>
      %add3A_45 = arith.addi %iota3A_42, %add3A_44 : vector<16xi32>
      %masked_sort3A_46 = arith.constant dense<true> : vector<16xi1>
      %masked_sort3A_47, %masked_sort3A_48, %masked_sort3A_49 = tpu.sort %get3A_41, %add3A_45 masked %masked_sort3A_46 {descending = true} : (vector<16xf32>, vector<16xi32>, vector<16xi1>) -> (vector<16xi1>, vector<16xf32>, vector<16xi32>)
      %rev3A = arith.constant 15 : i32
      %rev3A_50 = vector.broadcast %rev3A : i32 to vector<16xi32>
      %rev3A_51 = tpu.iota {dimensions = array<i32: 0>} : vector<16xi32>
      %rev3A_52 = arith.subi %rev3A_50, %rev3A_51 : vector<16xi32>
      %rev3A_53 = tpu.dynamic_gather %masked_sort3A_26[%rev3A_52] in [0] : vector<16xf32>, vector<16xi32> -> vector<16xf32>
      %rev3A_54 = arith.constant 15 : i32
      %rev3A_55 = vector.broadcast %rev3A_54 : i32 to vector<16xi32>
      %rev3A_56 = tpu.iota {dimensions = array<i32: 0>} : vector<16xi32>
      %rev3A_57 = arith.subi %rev3A_55, %rev3A_56 : vector<16xi32>
      %rev3A_58 = tpu.dynamic_gather %masked_sort3A_27[%rev3A_57] in [0] : vector<16xi32>, vector<16xi32> -> vector<16xi32>
      %gt3A = arith.cmpf ogt, %masked_sort3A_15, %rev3A_53 : vector<16xf32>
      %eq3A = arith.cmpf oeq, %masked_sort3A_15, %rev3A_53 : vector<16xf32>
      %lt3A = arith.cmpi slt, %masked_sort3A_16, %rev3A_58 : vector<16xi32>
      %and3A = arith.andi %eq3A, %lt3A : vector<16xi1>
      %or3A = arith.ori %gt3A, %and3A : vector<16xi1>
      %select_n3A = arith.select %or3A, %masked_sort3A_15, %rev3A_53 : vector<16xi1>, vector<16xf32>
      %select_n3A_59 = arith.select %or3A, %masked_sort3A_16, %rev3A_58 : vector<16xi1>, vector<16xi32>
      %masked_sort3A_60 = arith.constant dense<true> : vector<16xi1>
      %masked_sort3A_61, %masked_sort3A_62, %masked_sort3A_63 = tpu.sort %select_n3A, %select_n3A_59 masked %masked_sort3A_60 {descending = true} : (vector<16xf32>, vector<16xi32>, vector<16xi1>) -> (vector<16xi1>, vector<16xf32>, vector<16xi32>)
      %rev3A_64 = arith.constant 15 : i32
      %rev3A_65 = vector.broadcast %rev3A_64 : i32 to vector<16xi32>
      %rev3A_66 = tpu.iota {dimensions = array<i32: 0>} : vector<16xi32>
      %rev3A_67 = arith.subi %rev3A_65, %rev3A_66 : vector<16xi32>
      %rev3A_68 = tpu.dynamic_gather %masked_sort3A_48[%rev3A_67] in [0] : vector<16xf32>, vector<16xi32> -> vector<16xf32>
      %rev3A_69 = arith.constant 15 : i32
      %rev3A_70 = vector.broadcast %rev3A_69 : i32 to vector<16xi32>
      %rev3A_71 = tpu.iota {dimensions = array<i32: 0>} : vector<16xi32>
      %rev3A_72 = arith.subi %rev3A_70, %rev3A_71 : vector<16xi32>
      %rev3A_73 = tpu.dynamic_gather %masked_sort3A_49[%rev3A_72] in [0] : vector<16xi32>, vector<16xi32> -> vector<16xi32>
      %gt3A_74 = arith.cmpf ogt, %masked_sort3A_37, %rev3A_68 : vector<16xf32>
      %eq3A_75 = arith.cmpf oeq, %masked_sort3A_37, %rev3A_68 : vector<16xf32>
      %lt3A_76 = arith.cmpi slt, %masked_sort3A_38, %rev3A_73 : vector<16xi32>
      %and3A_77 = arith.andi %eq3A_75, %lt3A_76 : vector<16xi1>
      %or3A_78 = arith.ori %gt3A_74, %and3A_77 : vector<16xi1>
      %select_n3A_79 = arith.select %or3A_78, %masked_sort3A_37, %rev3A_68 : vector<16xi1>, vector<16xf32>
      %select_n3A_80 = arith.select %or3A_78, %masked_sort3A_38, %rev3A_73 : vector<16xi1>, vector<16xi32>
      %masked_sort3A_81 = arith.constant dense<true> : vector<16xi1>
      %masked_sort3A_82, %masked_sort3A_83, %masked_sort3A_84 = tpu.sort %select_n3A_79, %select_n3A_80 masked %masked_sort3A_81 {descending = true} : (vector<16xf32>, vector<16xi32>, vector<16xi1>) -> (vector<16xi1>, vector<16xf32>, vector<16xi32>)
      %rev3A_85 = arith.constant 15 : i32
      %rev3A_86 = vector.broadcast %rev3A_85 : i32 to vector<16xi32>
      %rev3A_87 = tpu.iota {dimensions = array<i32: 0>} : vector<16xi32>
      %rev3A_88 = arith.subi %rev3A_86, %rev3A_87 : vector<16xi32>
      %rev3A_89 = tpu.dynamic_gather %masked_sort3A_83[%rev3A_88] in [0] : vector<16xf32>, vector<16xi32> -> vector<16xf32>
      %rev3A_90 = arith.constant 15 : i32
      %rev3A_91 = vector.broadcast %rev3A_90 : i32 to vector<16xi32>
      %rev3A_92 = tpu.iota {dimensions = array<i32: 0>} : vector<16xi32>
      %rev3A_93 = arith.subi %rev3A_91, %rev3A_92 : vector<16xi32>
      %rev3A_94 = tpu.dynamic_gather %masked_sort3A_84[%rev3A_93] in [0] : vector<16xi32>, vector<16xi32> -> vector<16xi32>
      %gt3A_95 = arith.cmpf ogt, %masked_sort3A_62, %rev3A_89 : vector<16xf32>
      %eq3A_96 = arith.cmpf oeq, %masked_sort3A_62, %rev3A_89 : vector<16xf32>
      %lt3A_97 = arith.cmpi slt, %masked_sort3A_63, %rev3A_94 : vector<16xi32>
      %and3A_98 = arith.andi %eq3A_96, %lt3A_97 : vector<16xi1>
      %or3A_99 = arith.ori %gt3A_95, %and3A_98 : vector<16xi1>
      %select_n3A_100 = arith.select %or3A_99, %masked_sort3A_62, %rev3A_89 : vector<16xi1>, vector<16xf32>
      %select_n3A_101 = arith.select %or3A_99, %masked_sort3A_63, %rev3A_94 : vector<16xi1>, vector<16xi32>
      %masked_sort3A_102 = arith.constant dense<true> : vector<16xi1>
      %masked_sort3A_103, %masked_sort3A_104, %masked_sort3A_105 = tpu.sort %select_n3A_100, %select_n3A_101 masked %masked_sort3A_102 {descending = true} : (vector<16xf32>, vector<16xi32>, vector<16xi1>) -> (vector<16xi1>, vector<16xf32>, vector<16xi32>)
      %swap3A = arith.index_cast %scan3A_8 : i32 to index
      %swap3A_106 = arith.constant 0 : index
      %swap3A_107 = tpu.vector_load %arg6[%swap3A, %swap3A_106] {strides = array<i32>} : memref<256x16xi32, #tpu.memory_space<vmem>>, vector<16xi32>,
      tpu.vector_store %arg6[%swap3A, %swap3A_106], %masked_sort3A_105 {strides = array<i32>} : memref<256x16xi32, #tpu.memory_space<vmem>>, vector<16xi32>,
      %swap3A_108 = arith.index_cast %scan3A_8 : i32 to index
      %swap3A_109 = arith.constant 0 : index
      %swap3A_110 = tpu.vector_load %arg7[%swap3A_108, %swap3A_109] {strides = array<i32>} : memref<256x16xf32, #tpu.memory_space<vmem>>, vector<16xf32>,
      tpu.vector_store %arg7[%swap3A_108, %swap3A_109], %masked_sort3A_104 {strides = array<i32>} : memref<256x16xf32, #tpu.memory_space<vmem>>, vector<16xf32>,
    }
    %scan3A_7 = arith.constant 256 : i32
    "tpu.region"() ({
      %run_scoped3A = tpu.sem_alloc : memref<!tpu.dma_semaphore, #tpu.memory_space<semaphore_mem>>
      %dma_start3A = arith.constant 0 : i32
      %dma_start3A_8 = tpu.memref_slice %arg3[%mul3A_2, %dma_start3A] : memref<8192x16xi32, #tpu.memory_space<hbm>> -> memref<256x16xi32, #tpu.memory_space<hbm>>
      %dma_start3A_9 = arith.constant 0 : i32
      %dma_start3A_10 = tpu.memref_slice %arg3[%mul3A_2, %dma_start3A_9] : memref<8192x16xi32, #tpu.memory_space<hbm>> -> memref<256x16xi32, #tpu.memory_space<hbm>>
      tpu.enqueue_dma source(%arg6 : memref<256x16xi32, #tpu.memory_space<vmem>>) target(%dma_start3A_10 : memref<256x16xi32, #tpu.memory_space<hbm>>) target_semaphore(%run_scoped3A : memref<!tpu.dma_semaphore, #tpu.memory_space<semaphore_mem>>)
      %dma_wait3A = arith.constant 0 : i32
      %dma_wait3A_11 = tpu.memref_slice %arg3[%mul3A_2, %dma_wait3A] : memref<8192x16xi32, #tpu.memory_space<hbm>> -> memref<256x16xi32, #tpu.memory_space<hbm>>
      %dma_wait3A_12 = arith.constant 0 : i32
      %dma_wait3A_13 = tpu.memref_slice %arg3[%mul3A_2, %dma_wait3A_12] : memref<8192x16xi32, #tpu.memory_space<hbm>> -> memref<256x16xi32, #tpu.memory_space<hbm>>
      tpu.wait_dma2 semaphore(%run_scoped3A : memref<!tpu.dma_semaphore, #tpu.memory_space<semaphore_mem>>) src(%arg6 : memref<256x16xi32, #tpu.memory_space<vmem>>) dst(%dma_wait3A_13 : memref<256x16xi32, #tpu.memory_space<hbm>>)
      tpu.yield
    }) : () -> ()
    "tpu.region"() ({
      %run_scoped3A = tpu.sem_alloc : memref<!tpu.dma_semaphore, #tpu.memory_space<semaphore_mem>>
      %dma_start3A = arith.constant 0 : i32
      %dma_start3A_8 = tpu.memref_slice %arg4[%mul3A_2, %dma_start3A] : memref<8192x16xf32, #tpu.memory_space<hbm>> -> memref<256x16xf32, #tpu.memory_space<hbm>>
      %dma_start3A_9 = arith.constant 0 : i32
      %dma_start3A_10 = tpu.memref_slice %arg4[%mul3A_2, %dma_start3A_9] : memref<8192x16xf32, #tpu.memory_space<hbm>> -> memref<256x16xf32, #tpu.memory_space<hbm>>
      tpu.enqueue_dma source(%arg7 : memref<256x16xf32, #tpu.memory_space<vmem>>) target(%dma_start3A_10 : memref<256x16xf32, #tpu.memory_space<hbm>>) target_semaphore(%run_scoped3A : memref<!tpu.dma_semaphore, #tpu.memory_space<semaphore_mem>>)
      %dma_wait3A = arith.constant 0 : i32
      %dma_wait3A_11 = tpu.memref_slice %arg4[%mul3A_2, %dma_wait3A] : memref<8192x16xf32, #tpu.memory_space<hbm>> -> memref<256x16xf32, #tpu.memory_space<hbm>>
      %dma_wait3A_12 = arith.constant 0 : i32
      %dma_wait3A_13 = tpu.memref_slice %arg4[%mul3A_2, %dma_wait3A_12] : memref<8192x16xf32, #tpu.memory_space<hbm>> -> memref<256x16xf32, #tpu.memory_space<hbm>>
      tpu.wait_dma2 semaphore(%run_scoped3A : memref<!tpu.dma_semaphore, #tpu.memory_space<semaphore_mem>>) src(%arg7 : memref<256x16xf32, #tpu.memory_space<vmem>>) dst(%dma_wait3A_13 : memref<256x16xf32, #tpu.memory_space<hbm>>)
      tpu.yield
    }) : () -> ()
    return
  }
}

module attributes {stable_mosaic.version = 14 : i64} {
  func.func @_score_kernel(%arg0: i32, %arg1: memref<1024x2048xf32, #tpu.memory_space<vmem>>, %arg2: memref<64x2048xf32, #tpu.memory_space<vmem>>, %arg3: memref<1024x64xf32, #tpu.memory_space<vmem>>, %arg4: memref<1x1xf32, #tpu.memory_space<smem>>) attributes {dimension_semantics = [#tpu.dimension_semantics<arbitrary>], iteration_bounds = array<i64: 8>, scalar_prefetch = 0 : i64, scratch_operands = 0 : i64, tpu.core_type = #tpu.core_type<tc>, window_params = [{transform_indices = @transform_0, window_bounds = array<i64: 1024, 2048>}, {pipeline_mode = #tpu.pipeline_mode<synchronous>, transform_indices = @transform_1, window_bounds = array<i64: 64, 2048>}, {transform_indices = @transform_2, window_bounds = array<i64: 1024, 64>}, {transform_indices = @transform_3, window_bounds = array<i64: 1, 1>}]} {
    %get3A = arith.constant 0 : index
    %get3A_0 = arith.constant 0 : index
    %get3A_1 = vector.load %arg1[%get3A, %get3A_0] : memref<1024x2048xf32, #tpu.memory_space<vmem>>, vector<1024x2048xf32>
    %get3A_2 = arith.constant 0 : index
    %get3A_3 = arith.constant 0 : index
    %get3A_4 = vector.load %arg2[%get3A_2, %get3A_3] : memref<64x2048xf32, #tpu.memory_space<vmem>>, vector<64x2048xf32>
    %dot_general3A = arith.constant dense<0.000000e+00> : vector<1024x64xf32>
    %dot_general3A_5 = tpu.matmul %get3A_1, %get3A_4, %dot_general3A {dimension_numbers = #tpu.dot_dimension_numbers<[1], [1], [0], [0], [0, 0, 1, 0], [], []>, transpose_lhs_hint = false} : vector<1024x2048xf32>, vector<64x2048xf32>, vector<1024x64xf32> -> vector<1024x64xf32>
    %reduce_max3A = arith.constant dense<0xFF800000> : vector<1024xf32>
    %reduce_max3A_6 = vector.multi_reduction <maximumf>, %dot_general3A_5, %reduce_max3A [1] : vector<1024x64xf32> to vector<1024xf32>
    %broadcast_in_dim3A = vector.shape_cast %reduce_max3A_6 : vector<1024xf32> to vector<1024x1xf32>
    %sub3A = vector.broadcast %broadcast_in_dim3A : vector<1024x1xf32> to vector<1024x64xf32>
    %sub3A_7 = arith.subf %dot_general3A_5, %sub3A : vector<1024x64xf32>
    %exp3A = math.exp %sub3A_7 : vector<1024x64xf32>
    %reduce_sum3A = arith.constant dense<0.000000e+00> : vector<1024xf32>
    %reduce_sum3A_8 = vector.multi_reduction <add>, %exp3A, %reduce_sum3A [1] : vector<1024x64xf32> to vector<1024xf32>
    %broadcast_in_dim3A_9 = vector.shape_cast %reduce_sum3A_8 : vector<1024xf32> to vector<1024x1xf32>
    %div3A = vector.broadcast %broadcast_in_dim3A_9 : vector<1024x1xf32> to vector<1024x64xf32>
    %div3A_10 = arith.divf %exp3A, %div3A : vector<1024x64xf32>
    %swap3A = arith.constant 0 : index
    %swap3A_11 = arith.constant 0 : index
    %swap3A_12 = vector.load %arg3[%swap3A, %swap3A_11] : memref<1024x64xf32, #tpu.memory_space<vmem>>, vector<1024x64xf32>
    tpu.vector_store %arg3[%swap3A, %swap3A_11], %div3A_10 {strides = array<i32>} : memref<1024x64xf32, #tpu.memory_space<vmem>>, vector<1024x64xf32>,
    %eq3A = arith.constant 0 : i32
    %eq3A_13 = arith.cmpi eq, %arg0, %eq3A : i32
    %convert_element_type3A = arith.extui %eq3A_13 : i1 to i32
    %cond3A = arith.constant 0 : i32
    %cond3A_14 = arith.cmpi ne, %convert_element_type3A, %cond3A : i32
    scf.if %cond3A_14 {
      %swap3A_26 = arith.constant 0.000000e+00 : f32
      %swap3A_27 = arith.constant 0 : index
      %swap3A_28 = arith.constant 0 : index
      %swap3A_29 = memref.load %arg4[%swap3A_27, %swap3A_28] : memref<1x1xf32, #tpu.memory_space<smem>>
      memref.store %swap3A_26, %arg4[%swap3A_27, %swap3A_28] : memref<1x1xf32, #tpu.memory_space<smem>>
    } else {
    }
    %get3A_15 = arith.constant 0 : index
    %get3A_16 = arith.constant 0 : index
    %get3A_17 = memref.load %arg4[%get3A_15, %get3A_16] : memref<1x1xf32, #tpu.memory_space<smem>>
    %reduce_sum3A_18 = vector.shape_cast %div3A_10 : vector<1024x64xf32> to vector<1x1024x64xf32>
    %reduce_sum3A_19 = arith.constant dense<0.000000e+00> : vector<1xf32>
    %reduce_sum3A_20 = vector.multi_reduction <add>, %reduce_sum3A_18, %reduce_sum3A_19 [1, 2] : vector<1x1024x64xf32> to vector<1xf32>
    %reduce_sum3A_21 = vector.shape_cast %reduce_sum3A_20 : vector<1xf32> to vector<1x1x1xf32>
    %reduce_sum3A_22 = vector.extract %reduce_sum3A_21[0, 0, 0] : f32 from vector<1x1x1xf32>
    %add3A = arith.addf %get3A_17, %reduce_sum3A_22 : f32
    %swap3A_23 = arith.constant 0 : index
    %swap3A_24 = arith.constant 0 : index
    %swap3A_25 = memref.load %arg4[%swap3A_23, %swap3A_24] : memref<1x1xf32, #tpu.memory_space<smem>>
    memref.store %add3A, %arg4[%swap3A_23, %swap3A_24] : memref<1x1xf32, #tpu.memory_space<smem>>
    return
  }
  func.func @transform_0(%arg0: i32) -> (i32, i32) {
    %c0_i32 = arith.constant 0 : i32
    %c0_i32_0 = arith.constant 0 : i32
    return %arg0, %c0_i32 : i32, i32
  }
  func.func @transform_1(%arg0: i32) -> (i32, i32) {
    %c0_i32 = arith.constant 0 : i32
    %c0_i32_0 = arith.constant 0 : i32
    %c0_i32_1 = arith.constant 0 : i32
    return %c0_i32, %c0_i32_0 : i32, i32
  }
  func.func @transform_2(%arg0: i32) -> (i32, i32) {
    %c0_i32 = arith.constant 0 : i32
    %c0_i32_0 = arith.constant 0 : i32
    return %arg0, %c0_i32 : i32, i32
  }
  func.func @transform_3(%arg0: i32) -> (i32, i32) {
    %c0_i32 = arith.constant 0 : i32
    %c0_i32_0 = arith.constant 0 : i32
    %c0_i32_1 = arith.constant 0 : i32
    return %c0_i32, %c0_i32_0 : i32, i32
  }
}

</mosaic_0001>

<sc_bundles>
// kernel: kernel.4.cloned.1.call-start
scs
__scs_entry_jumppad:
0x0: {  	(pc) =	sbr.rel $0x88, $3  }
0x1: {  	(tag) =	ssettag $0x0;
	lr =	simm.s32 $0x1  }
0x2: {  	[smem:$0x3F9F] =	sst lr;
	_ =	strace $0xD0000000  }
0x3: {  	_ = 	snop  }
0x4: {  	_ = 	snop  }
0x5: {  	_ = 	snop  }
0x6: {  	_ = 	snop  }
0x7: {  	_ = 	snop  }
__scs_overlays_trampoline_lowered:
0x8: {  	[smem:$0x3FAE] =	sst s0  }
0x9: {  	[smem:$0x3FAF] =	sst s1  }
0xa: {  	[smem:$0x3FB0] =	sst s2  }
0xb: {  	[smem:$0x3FB1] =	sst s3  }
0xc: {  	[smem:$0x3FB2] =	sst s4  }
0xd: {  	[smem:$0x3FB3] =	sst s5  }
0xe: {  	[smem:$0x3FB4] =	sst s6  }
0xf: {  	[smem:$0x3FB5] =	sst s7  }
0x10: {  	[smem:$0x3FB6] =	sst s8  }
0x11: {  	[smem:$0x3FB7] =	sst s9;
	s0 =	simm.s32 @!p0 $0x0  }
0x12: {  	s1 =	sld [smem:$0x3F9D];
	s0 =	simm.s32 @p0 $0x1  }
0x13: {  	[smem:$0x3FB8] =	sst s0;
	s0 =	simm.s32 @!p1 $0x0  }
0x14: {  	s2 =	sld [smem:$0x3F9C];
	s0 =	simm.s32 @p1 $0x1  }
0x15: {  	[smem:$0x3FB9] =	sst s0;
	s0 =	simm.s32 @!p2 $0x0  }
0x16: {  	s3 =	sld [smem:$0x3FDB];
	s0 =	simm.s32 @p2 $0x1  }
0x17: {  	s4 =	simm.s32 $0x1BF5;
	[smem:$0x3FBB] =	sst s0  }
0x18: {  	s0 =	sld [smem:$0x3F9E];
	_ =	swait.ge [sflag:s4], $0x0  }
0x19: {  	s7 =	sld [smem:$0x3F9F]  }
0x1a: {  	s8 =	sadd.s32 $0xFFFFE003, lr  }
0x1b: {  	s9 =	sadd.s32 $0xFFFFFEF7, lr;
	s5 =	simm.s32 $0xFFFFFFFF;
	p2 =	slt.u32 s8, $0xFFFFF086  }
0x1c: {  	p1 =	slt.u32 s9, $0xF7A;
	s5 =	simm.s32 @!p2 $0x0  }
0x1d: {  	s5 =	simm.s32 @p1 $0x1;
	p0 =	seq.s32 s7, s2  }
0x1e: {  	s7 =	smul.u32 @!p0 $0xF7A, s2;
	p2 =	seq.s32 @!p0 s5, $0x0  }
0x1f: {  	s9 =	smul.u32 $0xF7A, s1;
	s8 =	simm.s32 @!p0 $0x1BF5;
	p2 =	por !p2, p0  }
0x20: {  	[sflag:s8] =	ssyncset.s32 @!p0 $0xFFFFF086;
	s6 =	sadd.s32 @!p0 s3, s7;
	s7 =	simm.s32 @!p0 $0x108  }
0x21: {  	s3 =	sadd.s32 s3, s9;
	s6 =	sadd.s32 @!p0 $0x88, s6;
	s7 =	simm.s32 @p2 $0x1082  }
0x22: {  	[simem:s7], [sflag:s8] =	dma.local @!p0 [hbm:s6], $0xF7A  }
0x23: {  	s9 =	sor.u32 $0xD0000000, s2;
	s6 =	simm.s32 $0x108;
	_ =	swait.ge @!p0 [sflag:s8], $0x0  }
0x24: {  	s3 =	sadd.s32 $0x88, s3;
	s6 =	simm.s32 @!p1 $0x1082;
	[sflag:s4] =	ssyncset.s32 $0xFFFFF086  }
0x25: {  	[simem:s6], [sflag:s4] =	dma.local [hbm:s3], $0xF7A  }
0x26: {  	[smem:$0x3F9F] =	sst s1;
	(tag) =	ssettag s2;
	_ =	strace s9  }
0x27: {  	s1 =	sld [smem:$0x3FAF]  }
0x28: {  	s2 =	sld [smem:$0x3FB0]  }
0x29: {  	s4 =	sld [smem:$0x3FB2]  }
0x2a: {  	p0 =	seq.s32 s5, $0x0;
	s5 =	sld [smem:$0x3FB3]  }
0x2b: {  	s6 =	sld [smem:$0x3FB4]  }
0x2c: {  	s7 =	sld [smem:$0x3FB5]  }
0x2d: {  	s3 =	simm.s32 $0x108;
	s8 =	sld [smem:$0x3FB6]  }
0x2e: {  	s3 =	simm.s32 @!p0 $0x1082;
	s9 =	sld [smem:$0x3FB7]  }
0x2f: {  	lr =	sadd.s32 s0, s3;
	s0 =	sld [smem:$0x3FAE]  }
0x30: {  	s3 =	sld [smem:$0x3FB1]  }
0x31: {  	[smem:$0x3FBA] =	sst s10  }
0x32: {  	s10 =	sld [smem:$0x3FB8];
	_ =	sdelay $0x3  }
0x33: {  	p0 =	seq.s32 s10, $0x1;
	s10 =	sld [smem:$0x3FBA];
	_ =	sdelay $0x3  }
0x34: {  	[smem:$0x3FBA] =	sst s10  }
0x35: {  	s10 =	sld [smem:$0x3FB9];
	_ =	sdelay $0x3  }
0x36: {  	p1 =	seq.s32 s10, $0x1;
	s10 =	sld [smem:$0x3FBA];
	_ =	sdelay $0x3  }
0x37: {  	[smem:$0x3FBA] =	sst s10  }
0x38: {  	s10 =	sld [smem:$0x3FBB]  }
0x39: {  	_ = 	snop;
	(pc) =	sbr.ind lr, $3  }
0x3a: {  	_ = 	snop  }
0x3b: {  	_ = 	snop  }
0x3c: {  	p2 =	seq.s32 s10, $0x1;
	s10 =	sld [smem:$0x3FBA]  }
0x3d: {  	_ =	shalt  }
0x3e: {  	_ =	shalt  }
0x3f: {  	_ =	shalt  }
0x40: {  	_ =	shalt  }
0x41: {  	_ =	shalt  }
0x42: {  	_ =	shalt  }
0x43: {  	_ =	shalt  }
0x44: {  	_ =	shalt  }
0x45: {  	_ =	shalt  }
0x46: {  	_ =	shalt  }
0x47: {  	_ =	shalt  }
0x48: {  	_ =	shalt  }
0x49: {  	_ =	shalt  }
0x4a: {  	_ =	shalt  }
0x4b: {  	_ =	shalt  }
0x4c: {  	_ =	shalt  }
0x4d: {  	_ =	shalt  }
0x4e: {  	_ =	shalt  }
0x4f: {  	_ =	shalt  }
0x50: {  	_ =	shalt  }
0x51: {  	_ =	shalt  }
0x52: {  	_ =	shalt  }
0x53: {  	_ =	shalt  }
0x54: {  	_ =	shalt  }
0x55: {  	_ =	shalt  }
0x56: {  	_ =	shalt  }
0x57: {  	_ =	shalt  }
0x58: {  	_ =	shalt  }
0x59: {  	_ =	shalt  }
0x5a: {  	_ =	shalt  }
0x5b: {  	_ =	shalt  }
0x5c: {  	_ =	shalt  }
0x5d: {  	_ =	shalt  }
0x5e: {  	_ =	shalt  }
0x5f: {  	_ =	shalt  }
0x60: {  	_ =	shalt  }
0x61: {  	_ =	shalt  }
0x62: {  	_ =	shalt  }
0x63: {  	_ =	shalt  }
0x64: {  	_ =	shalt  }
0x65: {  	_ =	shalt  }
0x66: {  	_ =	shalt  }
0x67: {  	_ =	shalt  }
0x68: {  	_ =	shalt  }
0x69: {  	_ =	shalt  }
0x6a: {  	_ =	shalt  }
0x6b: {  	_ =	shalt  }
0x6c: {  	_ =	shalt  }
0x6d: {  	_ =	shalt  }
0x6e: {  	_ =	shalt  }
0x6f: {  	_ =	shalt  }
0x70: {  	_ =	shalt  }
0x71: {  	_ =	shalt  }
0x72: {  	_ =	shalt  }
0x73: {  	_ =	shalt  }
0x74: {  	_ =	shalt  }
0x75: {  	_ =	shalt  }
0x76: {  	_ =	shalt  }
0x77: {  	_ =	shalt  }
0x78: {  	_ =	shalt  }
0x79: {  	_ =	shalt  }
0x7a: {  	_ =	shalt  }
0x7b: {  	_ =	shalt  }
0x7c: {  	_ =	shalt  }
0x7d: {  	_ =	shalt  }
0x7e: {  	_ =	shalt  }
0x7f: {  	_ =	shalt  }
0x80: {  	_ =	shalt  }
0x81: {  	_ =	shalt  }
0x82: {  	_ =	shalt  }
0x83: {  	_ =	shalt  }
0x84: {  	_ =	shalt  }
0x85: {  	_ =	shalt  }
0x86: {  	_ =	shalt  }
0x87: {  	_ =	shalt  }
.Lfunc_end0:
.L_simem_size_0:
called_computation_lowered:
.L_overlay_start_0:
0x88: {  	s2 =	sld [smem:$0x3FD9]  }
0x89: {  	s3 =	sld [smem:$0x3FFE];
	_ =	sdelay $0x1  }
0x8a: {  	s1 =	srdreg.scid  }
0x8b: {  	s0 =	sand.u32 $0x1, s1  }
0x8c: {  	s16 =	sshll.u32 s0, $0xA;
	s2 =	sadd.s32 s3, s2  }
0x8d: {  	s2 =	sadd.s32 s2, s16  }
0x8e: {  	[smem:$0x3FC6] =	sst s2  }
0x8f: {  	_ = 	snop  }
0x90: {  	(tm) =	ssettm $0x1  }
0x91: {  	s17 =	sld [smem:$0x3FFB];
	_ =	sdelay $0x3  }
0x92: {  	_ =	strace s17  }
0x93: {  	s2 =	sld [smem:$0x3FFC];
	_ =	sdelay $0x3  }
0x94: {  	_ =	strace s2  }
0x95: {  	s2 =	sld [smem:$0x3FFD];
	_ =	sdelay $0x3  }
0x96: {  	_ =	strace s2  }
0x97: {  	_ =	strace $0x8FFFFFFF  }
0x98: {  	s18 =	sld [smem:$0x3FDB];
	_ =	sdelay $0x1  }
0x99: {  	s19 =	simm.s32 $_scs_section_size  }
0x9a: {  	s4 =	simm.s32 $_size__tile_overlayer_lowered;
	s5 =	simm.s32 $_tile_overlayer_lowered  }
0x9b: {  	s22 =	simm.s32 $0x1BFF;
	s21 =	sshll.u32 s5, $0x1;
	s2 =	sadd.s32 s19, s18  }
0x9c: {  	s6 =	simm.s32 $0x0;
	s20 =	sshll.u32 s4, $0x1;
	s4 =	sadd.s32 s21, s2  }
0x9d: {  	[timem:s6], [sflag:s22] =	dma.local [hbm:s4], s20  }
0x9e: {  	_ =	swait.ge [sflag:s22], s20  }
0x9f: {  	s3 =	ssub.s32 $0x0, s20;
	[sflag:s22] =	ssyncset.done $0x0  }
0xa0: {  	[sflag:s22] =	ssyncadd.s32 s3;
	_ =	sdelay $0x1  }
0xa1: {  	s23 =	simm.s32 $0x1B8B  }
0xa2: {  	_ =	swait.ge [sflag:s23], $0x1  }
0xa3: {  	[sflag:s23] =	ssyncset.done $0x0  }
0xa4: {  	s25 =	simm.s32 $0x1B8E;
	s24 =	sld [smem:$0x3FFE];
	[sflag:s23] =	ssyncadd.s32 $0xFFFFFFFF  }
0xa5: {  	s26 =	simm.s32 $execute0_lowered;
	[smem:$0x3FD2] =	sst s25  }
0xa6: {  	s4 =	sshll.u32 s26, $0x1;
	_ =	strace $0x80000046;
	[dreg:$0x1] =	wrdreg $0xFFFFFFFF  }
0xa7: {  	s28 =	simm.s32 $_size_execute0_lowered;
	s2 =	sadd.s32 s2, s4;
	[dreg:$0x0] =	wrdreg $0x0  }
0xa8: {  	s4 =	sshll.u32 s28, $0x1;
	[dreg:$0x2] =	wrdreg s2  }
0xa9: {  	[dreg:$0x3] =	wrdreg s4  }
0xaa: {  	[dreg:$0x4] =	wrdreg $0xC0  }
0xab: {  	_ =	task [dreg:s6], $0x5FFFF  }
0xac: {  	[dreg:$0x1] =	wrdreg $0xFFFFFFFF  }
0xad: {  	[dreg:$0x0] =	wrdreg $0x60  }
0xae: {  	[dreg:$0x2] =	wrdreg s24  }
0xaf: {  	[dreg:$0x3] =	wrdreg $0x9  }
0xb0: {  	_ =	task.clear_ibuf [dreg:s6], $0x4FFFF;
	_ =	strace $0x90000046  }
0xb1: {  	s29 =	simm.s32 $0x9;
	_ =	strace $0x80000048  }
0xb2: {  	_ =	swait.ge [sflag:s29], $0x1  }
0xb3: {  	[sflag:s29] =	ssyncadd.s32 $0xFFFFFFFF  }
0xb4: {  	_ =	strace $0x90000048  }
0xb5: {  	_ =	sfence  }
0xb6: {  	s30 =	sld [smem:$0x0];
	_ =	sdelay $0x2  }
0xb7: {  	s31 =	sshll.u32 s1, $0xD;
	s1 =	sshrl.u32 s1, $0x2  }
0xb8: {  	s3 =	sand.u32 $0x4000, s31;
	s1 =	sadd.s32 s1, s30  }
0xb9: {  	s0 =	sor.u32 s3, s0;
	s1 =	sshll.u32 s1, $0x11  }
0xba: {  	s0 =	sor.u32 s1, s0  }
0xbb: {  	s0 =	sadd.s32 $0x8F2B, s0  }
0xbc: {  	[sflag:s0] =	ssyncadd.remote.s32 $0x1  }
0xbd: {  	_ =	sfence.sel $0xFFFF  }
0xbe: {  	[dreg:$0x0] =	wrdreg $0xFFFFFFFF;
	(pc) =	sbr.abs _section_cstart, $3  }
0xbf: {  	[dreg:$0x1] =	wrdreg $0xFFFFFFFF  }
0xc0: {  	_ =	task.clear_ibuf [dreg:s6], $0x2FFFF;
	_ =	strace $0x9FFFFFFF  }
0xc1: {  	(tm) =	ssettm $0x7FFFFFFF  }
tec
execute0_lowered:
.L_overlay_start_1:
0x0: {  	(tag) =	ssettag $0x1  }
0x1: {  	s3 =	rddreg [dreg:$0x0];
	s2 =	srdreg.scid  }
0x2: {  	s0 =	rddreg [dreg:$0x1];
	s1 =	stileid.u32;
	s7 =	simm.s32 $0x1  }
0x3: {  	s8 =	simm.s32 $0x8000;
	s9 =	simm.s32 $0x10000;
	s4 =	sand.u32 $0x1, s2  }
0x4: {  	s10 =	simm.s32 $0x0;
	s5 =	sshll.u32 s1, $0xD;
	s6 =	sshll.u32 s4, $0xC  }
0x5: {  	v0 =	vlaneseq.u32;
	s2 =	simm.s32 $0x0;
	s4 =	ssub.s32 $0x2, s4;
	s5 =	sor.u32 s6, s5  }
0x6: {  	v4 =	vmul.u32 $0xFFFFFFFF, v0;
	[smem:$0x7FF] =	sst s2;
	s30 =	sshrl.u32 s4, $0x1;
	s5 =	sadd.s32 s5, s3  }
0x7: {  	v1 =	vor.u32 $0x10, v0;
	_ =	strace $0x80000047;
	s31 =	ssub.s32 s4, s30;
	s3 =	sadd.s32 $0x1000, s5  }
0x8: {  	v2 =	vor.u32 $0x20, v0;
	v3 =	vor.u32 $0x30, v0;
	v4 =	vadd.s32 $0xF, v4;
	s4 =	sadd.s32 $0x21000, s5;
	s5 =	sadd.s32 $0x41000, s5;
	s6 =	smax.u32 s31, $0x1  }
.LBB2_1:
0x9: {  	[tilespmem:s2], [sflag:$0x1] =	stream.linear.gather [hbm4b:s3+s2], $0x8000, $0x38;
	[tilespmem:$0x18000] =	vst v63  }
0xa: {  	_ =	swait.ge [sflag:s7], $0x8000  }
0xb: {  	[sflag:s7] =	ssyncset.done $0x0  }
0xc: {  	s11 =	simm.s32 $0x0;
	[sflag:s7] =	ssyncadd.s32 $0xFFFF8000  }
0xd: {  	v5 =	vld [tilespmem:s11+$0x0]  }
0xe: {  	v6 =	vld [tilespmem:s11+$0x10]  }
0xf: {  	v7 =	vld [tilespmem:s11+$0x30];
	_ =	sdelay $0x1  }
0x10: {  	v8 =	vld [tilespmem:s11+$0x20]  }
0x11: {  	(xrf1) =	vsort.dscd.msk.f32 $0xffff, v5, v0  }
0x12: {  	(xrf1) =	vsort.dscd.msk.f32 $0xffff, v6, v1  }
0x13: {  	(xrf1) =	vsort.dscd.msk.f32 $0xffff, v7, v3;
	_ =	sdelay $0x1  }
0x14: {  	(xrf1) =	vsort.dscd.msk.f32 $0xffff, v8, v2;
	_ =	sdelay $0x1  }
0x15: {  	s12 =	simm.s32 $0x80  }
0x16: {  	v5 =	vld [tilespmem:s12+$0x0]  }
0x17: {  	v6 =	vld [tilespmem:s12+$0x10]  }
0x18: {  	v7 =	vld [tilespmem:s12+$0x30]  }
0x19: {  	v8 =	vld [tilespmem:s12+$0x20];
	_ =	sdelay $0x1  }
0x1a: {  	(xrf1) =	vsort.dscd.msk.f32 $0xffff, v5, v0  }
0x1b: {  	(xrf1) =	vsort.dscd.msk.f32 $0xffff, v6, v1  }
0x1c: {  	(xrf1) =	vsort.dscd.msk.f32 $0xffff, v7, v3;
	v5, v6, _ =	vpop (xrf1)  }
0x1d: {  	s13 =	simm.s32 $0x100;
	(xrf1) =	vsort.dscd.msk.f32 $0xffff, v8, v2;
	v8, v9, _ =	vpop (xrf1)  }
0x1e: {  	v7 =	vld [tilespmem:s13+$0x0];
	v11, v12, _ =	vpop (xrf1)  }
0x1f: {  	v10 =	vld [tilespmem:s13+$0x10];
	v11 =	vperm.xlane v11, v4;
	v12 =	vperm.xlane v12, v4  }
0x20: {  	v8 =	vperm.xlane v8, v4;
	v15, v16, _ =	vpop (xrf1)  }
0x21: {  	v13 =	vld [tilespmem:s13+$0x30];
	v9 =	vperm.xlane v9, v4;
	vm0 =	veq.f32 v15, v11;
	vm1 =	vlt.s32 v16, v12  }
0x22: {  	v14 =	vld [tilespmem:s13+$0x20];
	vm3 =	vgt.f32 v15, v11;
	vm0 =	vmand vm0, vm1  }
0x23: {  	(xrf1) =	vsort.dscd.msk.f32 $0xffff, v7, v0;
	vm8 =	veq.f32 v5, v8;
	vm4 =	vlt.s32 v6, v9;
	vm0 =	vmor vm3, vm0  }
0x24: {  	(xrf1) =	vsort.dscd.msk.f32 $0xffff, v10, v1;
	vm2 =	vgt.f32 v5, v8;
	vm1 =	vmand vm8, vm4;
	v10 =	vsel vm0, v16, v12  }
0x25: {  	vm9 =	vmor vm2, vm1;
	v7 =	vsel vm0, v15, v11  }
0x26: {  	s14 =	simm.s32 $0x180;
	(xrf1) =	vsort.dscd.msk.f32 $0xffff, v13, v3;
	v6 =	vsel vm9, v6, v9  }
0x27: {  	(xrf1) =	vsort.dscd.msk.f32 $0xffff, v14, v2;
	v11 =	vld [tilespmem:s14+$0x0];
	v5 =	vsel vm9, v5, v8  }
0x28: {  	(xrf1) =	vsort.dscd.msk.f32 $0xffff, v7, v10;
	v7, v10, _ =	vpop (xrf1)  }
0x29: {  	v12 =	vld [tilespmem:s14+$0x10];
	v8, v9, _ =	vpop (xrf1)  }
0x2a: {  	v13 =	vld [tilespmem:s14+$0x30];
	(xrf1) =	vsort.dscd.msk.f32 $0xffff, v5, v6;
	v5, v6, _ =	vpop (xrf1)  }
0x2b: {  	v5 =	vperm.xlane v5, v4;
	v6 =	vperm.xlane v6, v4  }
0x2c: {  	v14 =	vld [tilespmem:s14+$0x20];
	(xrf1) =	vsort.dscd.msk.f32 $0xffff, v11, v0;
	v15, v16, _ =	vpop (xrf1)  }
0x2d: {  	v8 =	vperm.xlane v8, v4;
	vm10 =	veq.f32 v15, v5;
	vm11 =	vlt.s32 v16, v6  }
0x2e: {  	v9 =	vperm.xlane v9, v4;
	(xrf1) =	vsort.dscd.msk.f32 $0xffff, v12, v1;
	vm13 =	vgt.f32 v15, v5;
	vm0 =	vmand vm10, vm11  }
0x2f: {  	(xrf1) =	vsort.dscd.msk.f32 $0xffff, v13, v3;
	vm0 =	vmor vm13, vm0  }
0x30: {  	vm14 =	veq.f32 v7, v8;
	vm15 =	vlt.s32 v10, v9;
	v6 =	vsel vm0, v16, v6  }
0x31: {  	vm12 =	vgt.f32 v7, v8;
	(xrf1) =	vsort.dscd.msk.f32 $0xffff, v14, v2;
	vm1 =	vmand vm14, vm15;
	v5 =	vsel vm0, v15, v5  }
0x32: {  	s15 =	simm.s32 $0x200;
	v11, v12, _ =	vpop (xrf1);
	vm7 =	vmor vm12, vm1;
	(xrf1) =	vsort.dscd.msk.f32 $0xffff, v5, v6  }
0x33: {  	v7 =	vsel vm7, v7, v8;
	v8 =	vsel vm7, v10, v9;
	v5 =	vld [tilespmem:s15+$0x0];
	v6, v13, _ =	vpop (xrf1)  }
0x34: {  	v6 =	vperm.xlane v6, v4;
	v10 =	vperm.xlane v13, v4;
	v13, v14, _ =	vpop (xrf1);
	(xrf1) =	vsort.dscd.msk.f32 $0xffff, v7, v8  }
0x35: {  	v9 =	vld [tilespmem:s15+$0x10];
	v8 =	vperm.xlane v13, v4;
	v13 =	vperm.xlane v14, v4;
	v14, v15, _ =	vpop (xrf1)  }
0x36: {  	v7 =	vld [tilespmem:s15+$0x30];
	vm8 =	vgt.f32 v11, v6;
	vm9 =	veq.f32 v11, v6;
	vm10 =	vlt.s32 v12, v10;
	v17, v18, _ =	vpop (xrf1)  }
0x37: {  	v16 =	vld [tilespmem:s15+$0x20];
	vm11 =	vgt.f32 v14, v8;
	v17 =	vperm.xlane v17, v4;
	v18 =	vperm.xlane v18, v4  }
0x38: {  	(xrf1) =	vsort.dscd.msk.f32 $0xffff, v5, v0;
	vm1 =	vmand vm9, vm10;
	vm12 =	veq.f32 v14, v8;
	vm13 =	vlt.s32 v15, v13;
	v5, v19, _ =	vpop (xrf1)  }
0x39: {  	vm2 =	vmand vm12, vm13;
	vm0 =	vmor vm8, vm1;
	vm14 =	veq.f32 v5, v17  }
0x3a: {  	(xrf1) =	vsort.dscd.msk.f32 $0xffff, v9, v1;
	vm5 =	vlt.s32 v19, v18;
	vm2 =	vmor vm11, vm2;
	vm15 =	vgt.f32 v5, v17  }
0x3b: {  	(xrf1) =	vsort.dscd.msk.f32 $0xffff, v7, v3;
	v6 =	vsel vm0, v11, v6;
	v10 =	vsel vm0, v12, v10;
	vm4 =	vmand vm14, vm5  }
0x3c: {  	s16 =	simm.s32 $0x280;
	(xrf1) =	vsort.dscd.msk.f32 $0xffff, v16, v2;
	v7 =	vsel vm2, v14, v8;
	v8 =	vsel vm2, v15, v13;
	v13, v14, _ =	vpop (xrf1);
	vm6 =	vmor vm15, vm4  }
0x3d: {  	(xrf1) =	vsort.dscd.msk.f32 $0xffff, v7, v8;
	v7 =	vld [tilespmem:s16+$0x0];
	v9, v15, _ =	vpop (xrf1);
	v5 =	vsel vm6, v5, v17;
	v8 =	vsel vm6, v19, v18  }
0x3e: {  	v11 =	vperm.xlane v15, v4;
	(xrf1) =	vsort.dscd.msk.f32 $0xffff, v5, v8;
	v5 =	vld [tilespmem:s16+$0x10];
	v8 =	vperm.xlane v9, v4;
	v9, v12, _ =	vpop (xrf1)  }
0x3f: {  	(xrf1) =	vsort.dscd.msk.f32 $0xffff, v6, v10;
	v6 =	vld [tilespmem:s16+$0x30];
	v9 =	vperm.xlane v9, v4;
	v10 =	vperm.xlane v12, v4;
	v12, v15, _ =	vpop (xrf1)  }
0x40: {  	v16 =	vld [tilespmem:s16+$0x20];
	vm8 =	vlt.s32 v14, v11;
	vm7 =	veq.f32 v13, v8;
	v17, v62, _ =	vpop (xrf1)  }
0x41: {  	vm9 =	vgt.f32 v12, v9;
	v17 =	vperm.xlane v17, v4;
	v18 =	vperm.xlane v62, v4  }
0x42: {  	(xrf1) =	vsort.dscd.msk.f32 $0xffff, v7, v0;
	vm10 =	veq.f32 v12, v9;
	vm11 =	vlt.s32 v15, v10;
	v7, v63, _ =	vpop (xrf1)  }
0x43: {  	vm2 =	vmand vm10, vm11;
	(xrf1) =	vsort.dscd.msk.f32 $0xffff, v5, v1;
	vm12 =	veq.f32 v7, v17;
	vm13 =	vlt.s32 v63, v18  }
0x44: {  	s17 =	simm.s32 $0x300;
	vm2 =	vmor vm9, vm2;
	(xrf1) =	vsort.dscd.msk.f32 $0xffff, v6, v3;
	vm14 =	vgt.f32 v7, v17;
	vm4 =	vmand vm12, vm13  }
0x45: {  	v5 =	vld [tilespmem:s17+$0x0];
	v12 =	vsel vm2, v12, v9;
	v10 =	vsel vm2, v15, v10;
	(xrf1) =	vsort.dscd.msk.f32 $0xffff, v16, v2;
	vm15 =	vmor vm14, vm4  }
0x46: {  	vm0 =	vgt.f32 v13, v8;
	vm1 =	vmand vm7, vm8;
	(xrf1) =	vsort.dscd.msk.f32 $0xffff, v12, v10;
	v10 =	vsel vm15, v63, v18  }
0x47: {  	vm0 =	vmor vm0, vm1;
	v6, v9, _ =	vpop (xrf1);
	v7 =	vsel vm15, v7, v17  }
0x48: {  	v13 =	vsel vm0, v13, v8;
	v11 =	vsel vm0, v14, v11;
	v15, v16, _ =	vpop (xrf1);
	(xrf1) =	vsort.dscd.msk.f32 $0xffff, v7, v10  }
0x49: {  	v10, v14, _ =	vpop (xrf1);
	(xrf1) =	vsort.dscd.msk.f32 $0xffff, v13, v11  }
0x4a: {  	(xrf1) =	vsort.dscd.msk.f32 $0xffff, v5, v0;
	_ =	sdelay $0x2  }
0x4b: {  	v12 =	vld [tilespmem:s17+$0x10];
	v8 =	vperm.xlane v16, v4;
	v7 =	vperm.xlane v15, v4  }
0x4c: {  	s18 =	simm.s32 $0xE00;
	v15 =	vld [tilespmem:s17+$0x30];
	v10 =	vperm.xlane v10, v4;
	v11 =	vperm.xlane v14, v4;
	v14, v13, _ =	vpop (xrf1)  }
.LBB2_2:
0x4d: {  	p0 =	sne.s32 s18, $0x1FE00;
	v5 =	vld [tilespmem:s17+$0x20];
	vm0 =	vgt.f32 v6, v7;
	vm1 =	veq.f32 v6, v7;
	vm2 =	vlt.s32 v9, v8;
	v16, v17, _ =	vpop (xrf1)  }
0x4e: {  	vm3 =	vgt.f32 v14, v10;
	v16 =	vperm.xlane v16, v4;
	v17 =	vperm.xlane v17, v4;
	v18, v19, _ =	vpop (xrf1)  }
0x4f: {  	vm1 =	vmand vm1, vm2;
	vm2 =	veq.f32 v14, v10;
	vm4 =	vlt.s32 v13, v11;
	v20, v21, _ =	vpop (xrf1);
	[tilespmem:s11+$0x10000] =	vst v18  }
0x50: {  	s19 =	sshra.s32 s18, $0x2;
	vm2 =	vmand vm2, vm4;
	(xrf1) =	vsort.dscd.msk.f32 $0xffff, v12, v1;
	v18, v22, _ =	vpop (xrf1);
	vm4 =	veq.f32 v20, v16;
	vm5 =	vlt.s32 v21, v17  }
0x51: {  	vm2 =	vmor vm3, vm2;
	vm3 =	vgt.f32 v20, v16;
	v23 =	vld [tilespmem:s19+$0x0];
	(xrf1) =	vsort.dscd.msk.f32 $0xffff, v15, v3;
	vm4 =	vmand vm4, vm5  }
.Ltmp0:
0x52: {  	(xrf1) =	vsort.dscd.msk.f32 $0xffff, v5, v2;
	v5 =	vsel vm2, v14, v10;
	v10 =	vsel vm2, v13, v11;
	vm2 =	vmor vm3, vm4;
	(pc) =	sbr.rel @p0 .LBB2_2-.Ltmp0, $4  }
0x53: {  	vm0 =	vmor vm0, vm1;
	(xrf1) =	vsort.dscd.msk.f32 $0xffff, v5, v10;
	v20 =	vsel vm2, v20, v16;
	v10 =	vsel vm2, v21, v17  }
0x54: {  	v15 =	vsel vm0, v6, v7;
	v16 =	vsel vm0, v9, v8;
	v14, v13, _ =	vpop (xrf1);
	(xrf1) =	vsort.dscd.msk.f32 $0xffff, v20, v10;
	[tilespmem:s11+$0x8000] =	vst v19;
	s11 =	smov.u32 s12;
	s12 =	smov.u32 s13;
	s13 =	smov.u32 s14  }
0x55: {  	v6 =	vmov v18;
	s14 =	smov.u32 s15;
	s15 =	smov.u32 s16;
	s16 =	smov.u32 s17;
	v12 =	vld [tilespmem:s19+$0x10];
	v7 =	vperm.xlane v14, v4;
	v8 =	vperm.xlane v13, v4;
	v5, v11, _ =	vpop (xrf1);
	(xrf1) =	vsort.dscd.msk.f32 $0xffff, v15, v16  }
0x56: {  	s18 =	sadd.s32 $0x200, s18;
	v9 =	vmov v22;
	s17 =	smov.u32 s19;
	v15 =	vld [tilespmem:s19+$0x30];
	(xrf1) =	vsort.dscd.msk.f32 $0xffff, v23, v0;
	v10 =	vperm.xlane v5, v4;
	v11 =	vperm.xlane v11, v4;
	v14, v13, _ =	vpop (xrf1)  }
0x57: {  	v5, v17, _ =	vpop (xrf1)  }
0x58: {  	v16 =	vld [tilespmem:s17+$0x20];
	vm0 =	veq.f32 v6, v7;
	vm1 =	vlt.s32 v9, v8;
	vm13 =	vgt.f32 v6, v7  }
0x59: {  	v18 =	vperm.xlane v5, v4;
	v17 =	vperm.xlane v17, v4;
	vm2 =	veq.f32 v14, v10;
	v19, v5, _ =	vpop (xrf1)  }
0x5a: {  	vm3 =	vlt.s32 v13, v11;
	vm4 =	vgt.f32 v14, v10;
	vm0 =	vmand vm0, vm1;
	v20, v21, _ =	vpop (xrf1)  }
0x5b: {  	vm2 =	vmand vm2, vm3;
	vm0 =	vmor vm13, vm0;
	(xrf1) =	vsort.dscd.msk.f32 $0xffff, v12, v1;
	vm11 =	veq.f32 v20, v18  }
0x5c: {  	vm2 =	vmor vm4, vm2;
	vm5 =	vlt.s32 v21, v17;
	(xrf1) =	vsort.dscd.msk.f32 $0xffff, v15, v3;
	vm12 =	vgt.f32 v20, v18  }
0x5d: {  	v39 =	vsel vm2, v14, v10;
	v40 =	vsel vm2, v13, v11;
	vm3 =	vmand vm11, vm5;
	(xrf1) =	vsort.dscd.msk.f32 $0xffff, v16, v2  }
0x5e: {  	v6 =	vsel vm0, v6, v7;
	v7 =	vsel vm0, v9, v8;
	vm14 =	vmor vm12, vm3;
	(xrf1) =	vsort.dscd.msk.f32 $0xffff, v39, v40  }
0x5f: {  	v41 =	vsel vm14, v20, v18;
	v42 =	vsel vm14, v21, v17  }
0x60: {  	v43, v44, _ =	vpop (xrf1);
	(xrf1) =	vsort.dscd.msk.f32 $0xffff, v41, v42  }
0x61: {  	v8, v9, _ =	vpop (xrf1);
	(xrf1) =	vsort.dscd.msk.f32 $0xffff, v6, v7  }
0x62: {  	v8 =	vperm.xlane v8, v4;
	v9 =	vperm.xlane v9, v4;
	v6, v7, _ =	vpop (xrf1)  }
0x63: {  	v6 =	vperm.xlane v6, v4;
	v7 =	vperm.xlane v7, v4;
	v10, v11, _ =	vpop (xrf1)  }
0x64: {  	vm15 =	vgt.f32 v43, v8;
	vm6 =	veq.f32 v43, v8;
	vm7 =	vlt.s32 v44, v9;
	v46, v45, _ =	vpop (xrf1)  }
0x65: {  	vm1 =	vmand vm6, vm7;
	v14 =	vperm.xlane v46, v4;
	v15 =	vperm.xlane v45, v4  }
0x66: {  	v47, v48, _ =	vpop (xrf1);
	vm9 =	veq.f32 v10, v6;
	vm10 =	vlt.s32 v11, v7;
	vm0 =	vmor vm15, vm1  }
0x67: {  	vm8 =	vgt.f32 v10, v6;
	v18, v20, _ =	vpop (xrf1);
	vm2 =	vmand vm9, vm10;
	v8 =	vsel vm0, v43, v8  }
0x68: {  	v9 =	vsel vm0, v44, v9;
	vm11 =	veq.f32 v18, v14;
	vm12 =	vlt.s32 v20, v15;
	v49, v22, _ =	vpop (xrf1)  }
0x69: {  	vm2 =	vmor vm8, vm2;
	vm13 =	vgt.f32 v18, v14;
	vm4 =	vmand vm11, vm12;
	v50, v51, _ =	vpop (xrf1)  }
0x6a: {  	v6 =	vsel vm2, v10, v6;
	v7 =	vsel vm2, v11, v7;
	vm14 =	vmor vm13, vm4;
	v52, v53, _ =	vpop (xrf1)  }
0x6b: {  	v14 =	vsel vm14, v18, v14;
	v10 =	vperm.xlane v50, v4;
	v11 =	vperm.xlane v51, v4;
	v54, v23, _ =	vpop (xrf1)  }
0x6c: {  	v15 =	vsel vm14, v20, v15;
	v55 =	vperm.xlane v52, v4;
	v56 =	vperm.xlane v53, v4;
	v57, v24, _ =	vpop (xrf1)  }
0x6d: {  	vm15 =	veq.f32 v49, v10;
	vm8 =	vlt.s32 v22, v11;
	v20 =	vperm.xlane v57, v4  }
0x6e: {  	v24 =	vperm.xlane v24, v4;
	vm9 =	veq.f32 v54, v55;
	vm10 =	vlt.s32 v23, v56;
	v25, v26, _ =	vpop (xrf1)  }
0x6f: {  	vm11 =	vgt.f32 v54, v55;
	vm0 =	vmand vm15, vm8;
	vm15 =	vgt.f32 v49, v10;
	v27, v28, _ =	vpop (xrf1)  }
0x70: {  	vm12 =	vmand vm9, vm10;
	(xrf1) =	vsort.dscd.msk.f32 $0xffff, v6, v7;
	vm13 =	veq.f32 v27, v20;
	vm14 =	vlt.s32 v28, v24  }
0x71: {  	vm1 =	vmor vm11, vm12;
	(xrf1) =	vsort.dscd.msk.f32 $0xffff, v14, v15;
	vm8 =	vgt.f32 v27, v20;
	vm2 =	vmand vm13, vm14  }
0x72: {  	(xrf1) =	vsort.dscd.msk.f32 $0xffff, v8, v9;
	v6 =	vsel vm1, v54, v55;
	v7 =	vsel vm1, v23, v56;
	vm9 =	vmor vm8, vm2  }
0x73: {  	vm0 =	vmor vm15, vm0;
	(xrf1) =	vsort.dscd.msk.f32 $0xffff, v6, v7;
	v6 =	vsel vm9, v27, v20;
	v7 =	vsel vm9, v28, v24  }
0x74: {  	v58 =	vsel vm0, v49, v10;
	v59 =	vsel vm0, v22, v11;
	(xrf1) =	vsort.dscd.msk.f32 $0xffff, v6, v7  }
0x75: {  	(xrf1) =	vsort.dscd.msk.f32 $0xffff, v58, v59;
	_ =	sdelay $0x8  }
0x76: {  	v6, v7, _ =	vpop (xrf1)  }
0x77: {  	v6 =	vperm.xlane v6, v4;
	v7 =	vperm.xlane v7, v4;
	v8, v9, _ =	vpop (xrf1)  }
0x78: {  	v60, v61, _ =	vpop (xrf1)  }
0x79: {  	vm10 =	veq.f32 v60, v6;
	vm11 =	vlt.s32 v61, v7;
	vm12 =	vgt.f32 v60, v6;
	v12, v13, _ =	vpop (xrf1)  }
0x7a: {  	vm0 =	vmand vm10, vm11;
	v12 =	vperm.xlane v12, v4;
	v13 =	vperm.xlane v13, v4;
	v14, v15, _ =	vpop (xrf1)  }
0x7b: {  	vm0 =	vmor vm12, vm0;
	v62, v63, _ =	vpop (xrf1)  }
0x7c: {  	v6 =	vsel vm0, v60, v6;
	vm13 =	veq.f32 v62, v12;
	vm14 =	vlt.s32 v63, v13  }
0x7d: {  	v7 =	vsel vm0, v61, v7;
	vm15 =	vgt.f32 v62, v12;
	vm1 =	vmand vm13, vm14  }
0x7e: {  	(xrf1) =	vsort.dscd.msk.f32 $0xffff, v6, v7;
	vm0 =	vmor vm15, vm1  }
0x7f: {  	v6 =	vsel vm0, v62, v12;
	v7 =	vsel vm0, v63, v13  }
0x80: {  	(xrf1) =	vsort.dscd.msk.f32 $0xffff, v6, v7;
	_ =	sdelay $0x2  }
0x81: {  	[tilespmem:s11+$0x10000] =	vst v19  }
0x82: {  	[tilespmem:s11+$0x8000] =	vst v5  }
0x83: {  	[tilespmem:s12+$0x10000] =	vst v47  }
0x84: {  	[tilespmem:s12+$0x8000] =	vst v48  }
0x85: {  	[tilespmem:s13+$0x10000] =	vst v25  }
0x86: {  	[tilespmem:s13+$0x8000] =	vst v26  }
0x87: {  	[tilespmem:s14+$0x10000] =	vst v8  }
0x88: {  	[tilespmem:s14+$0x8000] =	vst v9  }
0x89: {  	[tilespmem:s15+$0x10000] =	vst v14  }
0x8a: {  	[tilespmem:s15+$0x8000] =	vst v15;
	v5, v6, _ =	vpop (xrf1)  }
0x8b: {  	[tilespmem:s16+$0x10000] =	vst v5  }
0x8c: {  	[tilespmem:s16+$0x8000] =	vst v6;
	v5, v6, _ =	vpop (xrf1)  }
0x8d: {  	[tilespmem:s17+$0x10000] =	vst v5  }
0x8e: {  	[tilespmem:s17+$0x8000] =	vst v6  }
0x8f: {  	[hbm4b:s4+s2] =	stream.linear.scatter [tilespmem:s8], [sflag:$0x1], $0x8000, $0x38;
	[tilespmem:$0x18000] =	vst v63  }
0x90: {  	s10 =	sadd.s32 $0x1, s10;
	_ =	swait.ge [sflag:s7], $0x8000  }
0x91: {  	p0 =	sne.s32 s10, s6;
	[sflag:s7] =	ssyncset.done $0x0  }
.Ltmp1:
0x92: {  	[sflag:s7] =	ssyncadd.s32 $0xFFFF8000;
	(pc) =	sbr.rel @p0 .LBB2_1-.Ltmp1, $4  }
0x93: {  	[hbm4b:s5+s2] =	stream.linear.scatter [tilespmem:s9], [sflag:$0x1], $0x8000, $0x38;
	[tilespmem:$0x18000] =	vst v63  }
0x94: {  	_ =	swait.ge [sflag:s7], $0x8000  }
0x95: {  	[sflag:s7] =	ssyncset.done $0x0  }
0x96: {  	[sflag:s7] =	ssyncadd.s32 $0xFFFF8000  }
0x97: {  	_ =	sfence.sel $0x180000  }
0x98: {  	[bflag:$0x0] =	sbarrier.arrive $0xFFFF  }
0x99: {  	p0 =	sne.s32 s1, $0x0;
	_ =	strace $0x90000047  }
0x9a: {  	s0 =	sadd.s32 @!p0 $0x100000, s0;
	[bflag:$0x2] =	sbarrier.arrive $0xFFFF  }
0x9b: {  	[sflag:s0] =	ssyncadd.tile.s32 @!p0 $0x1;
	_ =	shalt  }
.Lfunc_end2:
_tile_overlayer_lowered:
.L_overlay_start_2:
0x9c: {  	(tag) =	ssettag $0x2  }
0x9d: {  	s0 =	rddreg [dreg:$0x0];
	s2 =	stileid.u32  }
0x9e: {  	s1 =	rddreg [dreg:$0x1];
	p0 =	sne.s32 s2, $0x0  }
0x9f: {  	s3 =	rddreg [dreg:$0x2];
	[bflag:$0x3] =	sbarrier.arrive $0xFFFF;
	s2 =	simm.s32 @!p0 $0x1C01  }
0xa0: {  	[timem:s3], [sflag:s2] =	dma.local @!p0 [hbm:s0], s1  }
0xa1: {  	s0 =	simm.s32 @!p0 $0x1  }
0xa2: {  	_ =	swait.ge @!p0 [sflag:s0], s1  }
0xa3: {  	s1 =	ssub.s32 @!p0 $0x0, s1;
	[sflag:s0] =	ssyncset.done @!p0 $0x0  }
0xa4: {  	[sflag:s0] =	ssyncadd.s32 @!p0 s1  }
0xa5: {  	[bflag:$0x3] =	sbarrier.arrive $0xFFFF  }
0xa6: {  	_ =	shalt  }

</sc_bundles>
